<compile_context>
chip_gen: v7x
topology: tpu7x:2x2x1
jax: 0.10.2.dev20260603
libtpu: 0.0.44.dev20260713+nightly
codegen_flags: <defaults>
</compile_context>

<pallas_src>
import functools

import jax
import jax.numpy as jnp
from jax import lax
from jax.experimental import pallas as pl
from jax.experimental.pallas import tpu as pltpu
from jax.experimental.pallas import tpu_sc as plsc

_NC, _NS, _L = 2, 16, 16
_NW = _NC * _NS
_B, _H = 16384, 50
_V, _D = 1000000, 16
_EPW = _B // _NW
_IPW = _EPW * _H
_ROWS = _V * _D // 128
_TC_BLK = 5000


def _tw_body(t_ref, w_ref, b_ref, o_ref):
    o_ref[...] = (
        jnp.dot(t_ref[...], w_ref[...], preferred_element_type=jnp.float32)
        + b_ref[0]
    )


def _tw_call(tr, wm, b):
    return pl.pallas_call(
        _tw_body,
        grid=(_ROWS // _TC_BLK,),
        in_specs=[
            pl.BlockSpec((_TC_BLK, 128), lambda i: (i, 0)),
            pl.BlockSpec((128, 8), lambda i: (0, 0)),
            pl.BlockSpec(memory_space=pltpu.SMEM),
        ],
        out_specs=pl.BlockSpec((_TC_BLK, 8), lambda i: (i, 0)),
        out_shape=jax.ShapeDtypeStruct((_ROWS, 8), jnp.float32),
    )(tr, wm, b)


_mesh = plsc.VectorSubcoreMesh(core_axis_name="c", subcore_axis_name="s")


@functools.partial(
    pl.kernel,
    out_type=jax.ShapeDtypeStruct((_NW, _L), jnp.float32),
    mesh=_mesh,
    scratch_types=[
        pltpu.VMEM((_IPW,), jnp.int32),
        pltpu.VMEM((_IPW,), jnp.float32),
        pltpu.VMEM((_L,), jnp.float32),
        pltpu.SemaphoreType.DMA,
    ],
)
def _sc_body(xf_hbm, tw_hbm, out_hbm, idx_v, g_v, o_v, sem):
    wid = lax.axis_index("s") * _NC + lax.axis_index("c")
    pltpu.sync_copy(xf_hbm.at[pl.ds(wid * _IPW, _IPW)], idx_v)
    pltpu.async_copy(tw_hbm.at[idx_v], g_v, sem).wait()

    def outer(c, tot):
        base = c * _L

        def inner(j, acc):
            return acc + g_v[pl.ds(j * _EPW + base, _L)]

        s = lax.fori_loop(0, _H, inner, jnp.zeros((_L,), jnp.float32))
        m = s * (1.0 / _H)
        return tot + m * m

    tot = lax.fori_loop(0, _EPW // _L, outer, jnp.zeros((_L,), jnp.float32))
    o_v[...] = tot
    pltpu.sync_copy(o_v, out_hbm.at[wid])


def kernel(x, table, W, b):
    tr = table.reshape(_ROWS, 128)
    wm = jnp.kron(jnp.eye(8, dtype=jnp.float32), W)
    tw = _tw_call(tr, wm, b).reshape(-1)
    xf = (
        x.reshape(_NW, _EPW, _H)
        .transpose(0, 2, 1)
        .reshape(-1)
        .astype(jnp.int32)
    )
    parts = _sc_body(xf, tw)
    return jnp.sum(parts) * 128.0

# --- scband reference (transcript-rebuilt; emitter-appended) ---
"""Pipeline reference for scband-model-78683800863400 (READ-ONLY COPY).

The authoritative reference and input builder live on the scoring server;
editing this copy changes nothing except your own understanding.
"""

import jax, jax.numpy as jnp
import numpy as np

VOCAB = 1000000
EMB_DIM = 16
BATCH = 16384
HIST = 50


def setup_inputs(seed: int = 0) -> dict:
    key = jax.random.key(seed)
    k1, k2, k3 = jax.random.split(key, 3)
    # indices into the dynamic embedding table (bag of ids per example)
    x = jax.random.randint(k1, (BATCH, HIST), 0, VOCAB)
    # DynamicEmbedding table, TruncNormalInitializer(std=0.02) ~= normal clipped; normal*0.02 is faithful enough
    table = (jax.random.truncated_normal(k2, -2.0, 2.0, (VOCAB, EMB_DIM), dtype=jnp.float32) * 0.02)
    # Linear(16, 1) parameters
    W = jax.random.normal(k3, (EMB_DIM, 1), dtype=jnp.float32) * (1.0 / np.sqrt(EMB_DIM))
    b = jnp.zeros((1,), dtype=jnp.float32)
    return {"x": x, "table": table, "W": W, "b": b}


def reference(x, table, W, b):
    # embedding lookup: gather rows of the table
    embs = jnp.take(table, x, axis=0)          # [B, L, emb_dim]
    # combiner='mean' over the bag dimension
    pooled = jnp.mean(embs, axis=1)            # [B, emb_dim]
    # linear layer then square, sum, scale (as in forward)
    out = pooled @ W + b                       # [B, 1]
    return (out ** 2).sum() * 128.0

if __name__ == "__main__":
    import jax
    _d = setup_inputs()
    print(jax.jit(kernel)(*tuple(_d.values())))

</pallas_src>

<mosaic_0001>
#map = affine_map<(d0, d1) -> (0)>
#map1 = affine_map<(d0, d1) -> (0, 0)>
module attributes {stable_mosaic.version = 14 : i64} {
  func.func @_sc_body(%arg0: i32, %arg1: i32, %arg2: memref<819200xi32, #tpu.memory_space<hbm>>, %arg3: memref<1000000xf32, #tpu.memory_space<hbm>>, %arg4: memref<32x16xf32, #tpu.memory_space<hbm>>, %arg5: memref<25600xi32, #tpu.memory_space<vmem>>, %arg6: memref<25600xf32, #tpu.memory_space<vmem>>, %arg7: memref<16xf32, #tpu.memory_space<vmem>>, %arg8: memref<!tpu.dma_semaphore, #tpu.memory_space<semaphore_mem>>) attributes {dimension_semantics = [#tpu.dimension_semantics<core_parallel>, #tpu.dimension_semantics<subcore_parallel>], iteration_bounds = array<i64: 2, 16>, scalar_prefetch = 0 : i64, scratch_operands = 4 : i64, tpu.core_type = #tpu.core_type<sc_vector_subcore>, window_params = [{transform_indices = #map}, {transform_indices = #map}, {transform_indices = #map1}]} {
    %mul3A = arith.constant 2 : i32
    %mul3A_0 = arith.muli %arg1, %mul3A : i32
    %add3A = arith.addi %mul3A_0, %arg0 : i32
    %mul3A_1 = arith.constant 25600 : i32
    %mul3A_2 = arith.muli %add3A, %mul3A_1 : i32
    "tpu.region"() ({
      %run_scoped3A = tpu.sem_alloc : memref<!tpu.dma_semaphore, #tpu.memory_space<semaphore_mem>>
      %dma_start3A_14 = tpu.memref_slice %arg2[%mul3A_2] : memref<819200xi32, #tpu.memory_space<hbm>> -> memref<25600xi32, #tpu.memory_space<hbm>>
      %dma_start3A_15 = tpu.memref_slice %arg2[%mul3A_2] : memref<819200xi32, #tpu.memory_space<hbm>> -> memref<25600xi32, #tpu.memory_space<hbm>>
      tpu.enqueue_dma source(%dma_start3A_15 : memref<25600xi32, #tpu.memory_space<hbm>>) target(%arg5 : memref<25600xi32, #tpu.memory_space<vmem>>) target_semaphore(%run_scoped3A : memref<!tpu.dma_semaphore, #tpu.memory_space<semaphore_mem>>)
      %dma_wait3A_16 = tpu.memref_slice %arg2[%mul3A_2] : memref<819200xi32, #tpu.memory_space<hbm>> -> memref<25600xi32, #tpu.memory_space<hbm>>
      %dma_wait3A_17 = tpu.memref_slice %arg2[%mul3A_2] : memref<819200xi32, #tpu.memory_space<hbm>> -> memref<25600xi32, #tpu.memory_space<hbm>>
      tpu.wait_dma2 semaphore(%run_scoped3A : memref<!tpu.dma_semaphore, #tpu.memory_space<semaphore_mem>>) src(%dma_wait3A_17 : memref<25600xi32, #tpu.memory_space<hbm>>) dst(%arg5 : memref<25600xi32, #tpu.memory_space<vmem>>)
      tpu.yield
    }) : () -> ()
    %dma_start3A = arith.constant 0 : i32
    %dma_start3A_3 = tpu.memref_slice %arg3[%dma_start3A] : memref<1000000xf32, #tpu.memory_space<hbm>> -> memref<1000000xf32, #tpu.memory_space<hbm>>
    tpu.enqueue_indirect_dma source(%dma_start3A_3 : memref<1000000xf32, #tpu.memory_space<hbm>>) target(%arg6 : memref<25600xf32, #tpu.memory_space<vmem>>) offsets(%arg5 : memref<25600xi32, #tpu.memory_space<vmem>>) semaphore(%arg8 : memref<!tpu.dma_semaphore, #tpu.memory_space<semaphore_mem>>)
    %dma_wait3A = arith.constant 0 : i32
    %dma_wait3A_4 = tpu.memref_slice %arg3[%dma_wait3A] : memref<1000000xf32, #tpu.memory_space<hbm>> -> memref<1000000xf32, #tpu.memory_space<hbm>>
    tpu.wait_indirect_dma semaphore(%arg8 : memref<!tpu.dma_semaphore, #tpu.memory_space<semaphore_mem>>) src(%dma_wait3A_4 : memref<1000000xf32, #tpu.memory_space<hbm>>) dst(%arg6 : memref<25600xf32, #tpu.memory_space<vmem>>)
    %broadcast_in_dim3A = arith.constant 0.000000e+00 : f32
    %broadcast_in_dim3A_5 = vector.broadcast %broadcast_in_dim3A : f32 to vector<16xf32>
    %scan3A = arith.constant 0 : i32
    %scan3A_6 = arith.constant 32 : i32
    %scan3A_7 = arith.addi %scan3A, %scan3A_6 : i32
    %scan3A_8 = arith.constant 1 : i32
    %scan3A_9 = scf.for %scan3A_14 = %scan3A to %scan3A_7 step %scan3A_8 iter_args(%scan3A_15 = %broadcast_in_dim3A_5) -> (vector<16xf32>)  : i32 {
      %mul3A_16 = arith.constant 16 : i32
      %mul3A_17 = arith.muli %scan3A_14, %mul3A_16 : i32
      %broadcast_in_dim3A_18 = arith.constant 0.000000e+00 : f32
      %broadcast_in_dim3A_19 = vector.broadcast %broadcast_in_dim3A_18 : f32 to vector<16xf32>
      %scan3A_20 = arith.constant 0 : i32
      %scan3A_21 = arith.constant 50 : i32
      %scan3A_22 = arith.addi %scan3A_20, %scan3A_21 : i32
      %scan3A_23 = arith.constant 1 : i32
      %scan3A_24 = scf.for %scan3A_31 = %scan3A_20 to %scan3A_22 step %scan3A_23 iter_args(%scan3A_32 = %broadcast_in_dim3A_19) -> (vector<16xf32>)  : i32 {
        %mul3A_33 = arith.constant 512 : i32
        %mul3A_34 = arith.muli %scan3A_31, %mul3A_33 : i32
        %add3A_35 = arith.addi %mul3A_34, %mul3A_17 : i32
        %get3A = arith.index_cast %add3A_35 : i32 to index
        %get3A_36 = tpu.vector_load %arg6[%get3A] {strides = array<i32>} : memref<25600xf32, #tpu.memory_space<vmem>>, vector<16xf32>,
        %get3A_37 = vector.shape_cast %get3A_36 : vector<16xf32> to vector<16xf32>
        %add3A_38 = arith.addf %scan3A_32, %get3A_37 : vector<16xf32>
        scf.yield %add3A_38 : vector<16xf32>
      }
      %scan3A_25 = arith.constant 50 : i32
      %mul3A_26 = arith.constant 2.000000e-02 : f32
      %mul3A_27 = vector.broadcast %mul3A_26 : f32 to vector<16xf32>
      %mul3A_28 = arith.mulf %scan3A_24, %mul3A_27 : vector<16xf32>
      %mul3A_29 = arith.mulf %mul3A_28, %mul3A_28 : vector<16xf32>
      %add3A_30 = arith.addf %scan3A_15, %mul3A_29 : vector<16xf32>
      scf.yield %add3A_30 : vector<16xf32>
    }
    %scan3A_10 = arith.constant 32 : i32
    %swap3A = arith.constant 0 : index
    %swap3A_11 = tpu.vector_load %arg7[%swap3A] {strides = array<i32>} : memref<16xf32, #tpu.memory_space<vmem>>, vector<16xf32>,
    %swap3A_12 = vector.shape_cast %swap3A_11 : vector<16xf32> to vector<16xf32>
    %swap3A_13 = vector.shape_cast %scan3A_9 : vector<16xf32> to vector<16xf32>
    tpu.vector_store %arg7[%swap3A], %swap3A_13 {strides = array<i32>} : memref<16xf32, #tpu.memory_space<vmem>>, vector<16xf32>,
    "tpu.region"() ({
      %run_scoped3A = tpu.sem_alloc : memref<!tpu.dma_semaphore, #tpu.memory_space<semaphore_mem>>
      %dma_start3A_14 = arith.constant 0 : i32
      %dma_start3A_15 = tpu.memref_slice %arg4[%add3A, %dma_start3A_14] : memref<32x16xf32, #tpu.memory_space<hbm>> -> memref<1x16xf32, #tpu.memory_space<hbm>>
      %dma_start3A_16 = tpu.memref_squeeze %dma_start3A_15 : memref<1x16xf32, #tpu.memory_space<hbm>> -> memref<16xf32, #tpu.memory_space<hbm>>
      %dma_start3A_17 = arith.constant 0 : i32
      %dma_start3A_18 = tpu.memref_slice %arg4[%add3A, %dma_start3A_17] : memref<32x16xf32, #tpu.memory_space<hbm>> -> memref<1x16xf32, #tpu.memory_space<hbm>>
      %dma_start3A_19 = tpu.memref_squeeze %dma_start3A_18 : memref<1x16xf32, #tpu.memory_space<hbm>> -> memref<16xf32, #tpu.memory_space<hbm>>
      tpu.enqueue_dma source(%arg7 : memref<16xf32, #tpu.memory_space<vmem>>) target(%dma_start3A_19 : memref<16xf32, #tpu.memory_space<hbm>>) target_semaphore(%run_scoped3A : memref<!tpu.dma_semaphore, #tpu.memory_space<semaphore_mem>>)
      %dma_wait3A_20 = arith.constant 0 : i32
      %dma_wait3A_21 = tpu.memref_slice %arg4[%add3A, %dma_wait3A_20] : memref<32x16xf32, #tpu.memory_space<hbm>> -> memref<1x16xf32, #tpu.memory_space<hbm>>
      %dma_wait3A_22 = tpu.memref_squeeze %dma_wait3A_21 : memref<1x16xf32, #tpu.memory_space<hbm>> -> memref<16xf32, #tpu.memory_space<hbm>>
      %dma_wait3A_23 = arith.constant 0 : i32
      %dma_wait3A_24 = tpu.memref_slice %arg4[%add3A, %dma_wait3A_23] : memref<32x16xf32, #tpu.memory_space<hbm>> -> memref<1x16xf32, #tpu.memory_space<hbm>>
      %dma_wait3A_25 = tpu.memref_squeeze %dma_wait3A_24 : memref<1x16xf32, #tpu.memory_space<hbm>> -> memref<16xf32, #tpu.memory_space<hbm>>
      tpu.wait_dma2 semaphore(%run_scoped3A : memref<!tpu.dma_semaphore, #tpu.memory_space<semaphore_mem>>) src(%arg7 : memref<16xf32, #tpu.memory_space<vmem>>) dst(%dma_wait3A_25 : memref<16xf32, #tpu.memory_space<hbm>>)
      tpu.yield
    }) : () -> ()
    return
  }
}

module attributes {stable_mosaic.version = 14 : i64} {
  func.func @_tw_body(%arg0: i32, %arg1: memref<5000x128xf32, #tpu.memory_space<vmem>>, %arg2: memref<128x8xf32, #tpu.memory_space<vmem>>, %arg3: memref<1xf32, #tpu.memory_space<smem>>, %arg4: memref<5000x8xf32, #tpu.memory_space<vmem>>) attributes {dimension_semantics = [#tpu.dimension_semantics<arbitrary>], iteration_bounds = array<i64: 25>, scalar_prefetch = 0 : i64, scratch_operands = 0 : i64, tpu.core_type = #tpu.core_type<tc>, window_params = [{transform_indices = @transform_0, window_bounds = array<i64: 5000, 128>}, {pipeline_mode = #tpu.pipeline_mode<synchronous>, transform_indices = @transform_1, window_bounds = array<i64: 128, 8>}, {transform_indices = @transform_2, window_bounds = array<i64: 1>}, {transform_indices = @transform_3, window_bounds = array<i64: 5000, 8>}]} {
    %get3A = arith.constant 0 : index
    %get3A_0 = arith.constant 0 : index
    %get3A_1 = vector.load %arg1[%get3A, %get3A_0] : memref<5000x128xf32, #tpu.memory_space<vmem>>, vector<5000x128xf32>
    %get3A_2 = arith.constant 0 : index
    %get3A_3 = arith.constant 0 : index
    %get3A_4 = vector.load %arg2[%get3A_2, %get3A_3] : memref<128x8xf32, #tpu.memory_space<vmem>>, vector<128x8xf32>
    %dot_general3A = arith.constant dense<0.000000e+00> : vector<5000x8xf32>
    %dot_general3A_5 = tpu.matmul %get3A_1, %get3A_4, %dot_general3A {dimension_numbers = #tpu.dot_dimension_numbers<[1], [0], [0], [1], [0, 0, 1, 1], [], []>, transpose_lhs_hint = false} : vector<5000x128xf32>, vector<128x8xf32>, vector<5000x8xf32> -> vector<5000x8xf32>
    %get3A_6 = arith.constant 0 : index
    %get3A_7 = memref.load %arg3[%get3A_6] : memref<1xf32, #tpu.memory_space<smem>>
    %add3A = vector.broadcast %get3A_7 : f32 to vector<5000x8xf32>
    %add3A_8 = arith.addf %dot_general3A_5, %add3A : vector<5000x8xf32>
    %swap3A = arith.constant 0 : index
    %swap3A_9 = arith.constant 0 : index
    %swap3A_10 = vector.load %arg4[%swap3A, %swap3A_9] : memref<5000x8xf32, #tpu.memory_space<vmem>>, vector<5000x8xf32>
    tpu.vector_store %arg4[%swap3A, %swap3A_9], %add3A_8 {strides = array<i32>} : memref<5000x8xf32, #tpu.memory_space<vmem>>, vector<5000x8xf32>,
    return
  }
  func.func @transform_0(%arg0: i32) -> (i32, i32) {
    %c0_i32 = arith.constant 0 : i32
    %c0_i32_0 = arith.constant 0 : i32
    return %arg0, %c0_i32 : i32, i32
  }
  func.func @transform_1(%arg0: i32) -> (i32, i32) {
    %c0_i32 = arith.constant 0 : i32
    %c0_i32_0 = arith.constant 0 : i32
    %c0_i32_1 = arith.constant 0 : i32
    return %c0_i32, %c0_i32_0 : i32, i32
  }
  func.func @transform_2(%arg0: i32) -> i32 {
    %c0_i32 = arith.constant 0 : i32
    %c0_i32_0 = arith.constant 0 : i32
    return %c0_i32 : i32
  }
  func.func @transform_3(%arg0: i32) -> (i32, i32) {
    %c0_i32 = arith.constant 0 : i32
    %c0_i32_0 = arith.constant 0 : i32
    return %arg0, %c0_i32 : i32, i32
  }
}

</mosaic_0001>

<sc_bundles>
// kernel: kernel.4.cloned.1.call-start
scs
__scs_entry_jumppad:
0x0: {  	(pc) =	sbr.rel $0x88, $3  }
0x1: {  	(tag) =	ssettag $0x0;
	lr =	simm.s32 $0x1  }
0x2: {  	[smem:$0x3F9D] =	sst lr;
	_ =	strace $0xD0000000  }
0x3: {  	_ = 	snop  }
0x4: {  	_ = 	snop  }
0x5: {  	_ = 	snop  }
0x6: {  	_ = 	snop  }
0x7: {  	_ = 	snop  }
__scs_overlays_trampoline_lowered:
0x8: {  	[smem:$0x3FAC] =	sst s0  }
0x9: {  	[smem:$0x3FAD] =	sst s1  }
0xa: {  	[smem:$0x3FAE] =	sst s2  }
0xb: {  	[smem:$0x3FAF] =	sst s3  }
0xc: {  	[smem:$0x3FB0] =	sst s4  }
0xd: {  	[smem:$0x3FB1] =	sst s5  }
0xe: {  	[smem:$0x3FB2] =	sst s6  }
0xf: {  	[smem:$0x3FB3] =	sst s7  }
0x10: {  	[smem:$0x3FB4] =	sst s8  }
0x11: {  	[smem:$0x3FB5] =	sst s9;
	s0 =	simm.s32 @!p0 $0x0  }
0x12: {  	s1 =	sld [smem:$0x3F9B];
	s0 =	simm.s32 @p0 $0x1  }
0x13: {  	[smem:$0x3FB6] =	sst s0;
	s0 =	simm.s32 @!p1 $0x0  }
0x14: {  	s2 =	sld [smem:$0x3F9A];
	s0 =	simm.s32 @p1 $0x1  }
0x15: {  	[smem:$0x3FB7] =	sst s0;
	s0 =	simm.s32 @!p2 $0x0  }
0x16: {  	s3 =	sld [smem:$0x3FDB];
	s0 =	simm.s32 @p2 $0x1  }
0x17: {  	s4 =	simm.s32 $0x1BF5;
	[smem:$0x3FB9] =	sst s0  }
0x18: {  	s0 =	sld [smem:$0x3F9C];
	_ =	swait.ge [sflag:s4], $0x0  }
0x19: {  	s7 =	sld [smem:$0x3F9D]  }
0x1a: {  	s8 =	sadd.s32 $0xFFFFE003, lr  }
0x1b: {  	s9 =	sadd.s32 $0xFFFFFEF7, lr;
	s5 =	simm.s32 $0xFFFFFFFF;
	p2 =	slt.u32 s8, $0xFFFFF086  }
0x1c: {  	p1 =	slt.u32 s9, $0xF7A;
	s5 =	simm.s32 @!p2 $0x0  }
0x1d: {  	s5 =	simm.s32 @p1 $0x1;
	p0 =	seq.s32 s7, s2  }
0x1e: {  	s7 =	smul.u32 @!p0 $0xF7A, s2;
	p2 =	seq.s32 @!p0 s5, $0x0  }
0x1f: {  	s9 =	smul.u32 $0xF7A, s1;
	s8 =	simm.s32 @!p0 $0x1BF5;
	p2 =	por !p2, p0  }
0x20: {  	[sflag:s8] =	ssyncset.s32 @!p0 $0xFFFFF086;
	s6 =	sadd.s32 @!p0 s3, s7;
	s7 =	simm.s32 @!p0 $0x108  }
0x21: {  	s3 =	sadd.s32 s3, s9;
	s6 =	sadd.s32 @!p0 $0x88, s6;
	s7 =	simm.s32 @p2 $0x1082  }
0x22: {  	[simem:s7], [sflag:s8] =	dma.local @!p0 [hbm:s6], $0xF7A  }
0x23: {  	s9 =	sor.u32 $0xD0000000, s2;
	s6 =	simm.s32 $0x108;
	_ =	swait.ge @!p0 [sflag:s8], $0x0  }
0x24: {  	s3 =	sadd.s32 $0x88, s3;
	s6 =	simm.s32 @!p1 $0x1082;
	[sflag:s4] =	ssyncset.s32 $0xFFFFF086  }
0x25: {  	[simem:s6], [sflag:s4] =	dma.local [hbm:s3], $0xF7A  }
0x26: {  	[smem:$0x3F9D] =	sst s1;
	(tag) =	ssettag s2;
	_ =	strace s9  }
0x27: {  	s1 =	sld [smem:$0x3FAD]  }
0x28: {  	s2 =	sld [smem:$0x3FAE]  }
0x29: {  	s4 =	sld [smem:$0x3FB0]  }
0x2a: {  	p0 =	seq.s32 s5, $0x0;
	s5 =	sld [smem:$0x3FB1]  }
0x2b: {  	s6 =	sld [smem:$0x3FB2]  }
0x2c: {  	s7 =	sld [smem:$0x3FB3]  }
0x2d: {  	s3 =	simm.s32 $0x108;
	s8 =	sld [smem:$0x3FB4]  }
0x2e: {  	s3 =	simm.s32 @!p0 $0x1082;
	s9 =	sld [smem:$0x3FB5]  }
0x2f: {  	lr =	sadd.s32 s0, s3;
	s0 =	sld [smem:$0x3FAC]  }
0x30: {  	s3 =	sld [smem:$0x3FAF]  }
0x31: {  	[smem:$0x3FB8] =	sst s10  }
0x32: {  	s10 =	sld [smem:$0x3FB6];
	_ =	sdelay $0x3  }
0x33: {  	p0 =	seq.s32 s10, $0x1;
	s10 =	sld [smem:$0x3FB8];
	_ =	sdelay $0x3  }
0x34: {  	[smem:$0x3FB8] =	sst s10  }
0x35: {  	s10 =	sld [smem:$0x3FB7];
	_ =	sdelay $0x3  }
0x36: {  	p1 =	seq.s32 s10, $0x1;
	s10 =	sld [smem:$0x3FB8];
	_ =	sdelay $0x3  }
0x37: {  	[smem:$0x3FB8] =	sst s10  }
0x38: {  	s10 =	sld [smem:$0x3FB9]  }
0x39: {  	_ = 	snop;
	(pc) =	sbr.ind lr, $3  }
0x3a: {  	_ = 	snop  }
0x3b: {  	_ = 	snop  }
0x3c: {  	p2 =	seq.s32 s10, $0x1;
	s10 =	sld [smem:$0x3FB8]  }
0x3d: {  	_ =	shalt  }
0x3e: {  	_ =	shalt  }
0x3f: {  	_ =	shalt  }
0x40: {  	_ =	shalt  }
0x41: {  	_ =	shalt  }
0x42: {  	_ =	shalt  }
0x43: {  	_ =	shalt  }
0x44: {  	_ =	shalt  }
0x45: {  	_ =	shalt  }
0x46: {  	_ =	shalt  }
0x47: {  	_ =	shalt  }
0x48: {  	_ =	shalt  }
0x49: {  	_ =	shalt  }
0x4a: {  	_ =	shalt  }
0x4b: {  	_ =	shalt  }
0x4c: {  	_ =	shalt  }
0x4d: {  	_ =	shalt  }
0x4e: {  	_ =	shalt  }
0x4f: {  	_ =	shalt  }
0x50: {  	_ =	shalt  }
0x51: {  	_ =	shalt  }
0x52: {  	_ =	shalt  }
0x53: {  	_ =	shalt  }
0x54: {  	_ =	shalt  }
0x55: {  	_ =	shalt  }
0x56: {  	_ =	shalt  }
0x57: {  	_ =	shalt  }
0x58: {  	_ =	shalt  }
0x59: {  	_ =	shalt  }
0x5a: {  	_ =	shalt  }
0x5b: {  	_ =	shalt  }
0x5c: {  	_ =	shalt  }
0x5d: {  	_ =	shalt  }
0x5e: {  	_ =	shalt  }
0x5f: {  	_ =	shalt  }
0x60: {  	_ =	shalt  }
0x61: {  	_ =	shalt  }
0x62: {  	_ =	shalt  }
0x63: {  	_ =	shalt  }
0x64: {  	_ =	shalt  }
0x65: {  	_ =	shalt  }
0x66: {  	_ =	shalt  }
0x67: {  	_ =	shalt  }
0x68: {  	_ =	shalt  }
0x69: {  	_ =	shalt  }
0x6a: {  	_ =	shalt  }
0x6b: {  	_ =	shalt  }
0x6c: {  	_ =	shalt  }
0x6d: {  	_ =	shalt  }
0x6e: {  	_ =	shalt  }
0x6f: {  	_ =	shalt  }
0x70: {  	_ =	shalt  }
0x71: {  	_ =	shalt  }
0x72: {  	_ =	shalt  }
0x73: {  	_ =	shalt  }
0x74: {  	_ =	shalt  }
0x75: {  	_ =	shalt  }
0x76: {  	_ =	shalt  }
0x77: {  	_ =	shalt  }
0x78: {  	_ =	shalt  }
0x79: {  	_ =	shalt  }
0x7a: {  	_ =	shalt  }
0x7b: {  	_ =	shalt  }
0x7c: {  	_ =	shalt  }
0x7d: {  	_ =	shalt  }
0x7e: {  	_ =	shalt  }
0x7f: {  	_ =	shalt  }
0x80: {  	_ =	shalt  }
0x81: {  	_ =	shalt  }
0x82: {  	_ =	shalt  }
0x83: {  	_ =	shalt  }
0x84: {  	_ =	shalt  }
0x85: {  	_ =	shalt  }
0x86: {  	_ =	shalt  }
0x87: {  	_ =	shalt  }
.Lfunc_end0:
.L_simem_size_0:
called_computation_lowered:
.L_overlay_start_0:
0x88: {  	s2 =	sld [smem:$0x3FD9]  }
0x89: {  	s3 =	sld [smem:$0x3FFE];
	_ =	sdelay $0x1  }
0x8a: {  	s1 =	srdreg.scid  }
0x8b: {  	s0 =	sand.u32 $0x1, s1  }
0x8c: {  	s16 =	sshll.u32 s0, $0xA;
	s2 =	sadd.s32 s3, s2  }
0x8d: {  	s2 =	sadd.s32 s2, s16  }
0x8e: {  	[smem:$0x3FC4] =	sst s2  }
0x8f: {  	_ = 	snop  }
0x90: {  	(tm) =	ssettm $0x1  }
0x91: {  	s17 =	sld [smem:$0x3FFB];
	_ =	sdelay $0x3  }
0x92: {  	_ =	strace s17  }
0x93: {  	s2 =	sld [smem:$0x3FFC];
	_ =	sdelay $0x3  }
0x94: {  	_ =	strace s2  }
0x95: {  	s2 =	sld [smem:$0x3FFD];
	_ =	sdelay $0x3  }
0x96: {  	_ =	strace s2  }
0x97: {  	_ =	strace $0x8FFFFFFF  }
0x98: {  	s18 =	sld [smem:$0x3FDB];
	_ =	sdelay $0x1  }
0x99: {  	s19 =	simm.s32 $_scs_section_size  }
0x9a: {  	s4 =	simm.s32 $_size__tile_overlayer_lowered;
	s5 =	simm.s32 $_tile_overlayer_lowered  }
0x9b: {  	s22 =	simm.s32 $0x1BFF;
	s21 =	sshll.u32 s5, $0x1;
	s2 =	sadd.s32 s19, s18  }
0x9c: {  	s6 =	simm.s32 $0x0;
	s20 =	sshll.u32 s4, $0x1;
	s4 =	sadd.s32 s21, s2  }
0x9d: {  	[timem:s6], [sflag:s22] =	dma.local [hbm:s4], s20  }
0x9e: {  	_ =	swait.ge [sflag:s22], s20  }
0x9f: {  	s3 =	ssub.s32 $0x0, s20;
	[sflag:s22] =	ssyncset.done $0x0  }
0xa0: {  	[sflag:s22] =	ssyncadd.s32 s3;
	_ =	sdelay $0x1  }
0xa1: {  	s23 =	simm.s32 $0x1B8B  }
0xa2: {  	_ =	swait.ge [sflag:s23], $0x1  }
0xa3: {  	[sflag:s23] =	ssyncset.done $0x0  }
0xa4: {  	s25 =	simm.s32 $0x1B8E;
	s24 =	sld [smem:$0x3FFE];
	[sflag:s23] =	ssyncadd.s32 $0xFFFFFFFF  }
0xa5: {  	s26 =	simm.s32 $execute0_lowered;
	[smem:$0x3FD2] =	sst s25  }
0xa6: {  	s4 =	sshll.u32 s26, $0x1;
	_ =	strace $0x80000046;
	[dreg:$0x1] =	wrdreg $0xFFFFFFFF  }
0xa7: {  	s28 =	simm.s32 $_size_execute0_lowered;
	s2 =	sadd.s32 s2, s4;
	[dreg:$0x0] =	wrdreg $0x0  }
0xa8: {  	s4 =	sshll.u32 s28, $0x1;
	[dreg:$0x2] =	wrdreg s2  }
0xa9: {  	[dreg:$0x3] =	wrdreg s4  }
0xaa: {  	[dreg:$0x4] =	wrdreg $0xC0  }
0xab: {  	_ =	task [dreg:s6], $0x5FFFF  }
0xac: {  	[dreg:$0x1] =	wrdreg $0xFFFFFFFF  }
0xad: {  	[dreg:$0x0] =	wrdreg $0x60  }
0xae: {  	[dreg:$0x2] =	wrdreg s24  }
0xaf: {  	[dreg:$0x3] =	wrdreg $0x9  }
0xb0: {  	_ =	task.clear_ibuf [dreg:s6], $0x4FFFF;
	_ =	strace $0x90000046  }
0xb1: {  	s29 =	simm.s32 $0x9;
	_ =	strace $0x80000048  }
0xb2: {  	_ =	swait.ge [sflag:s29], $0x1  }
0xb3: {  	[sflag:s29] =	ssyncadd.s32 $0xFFFFFFFF  }
0xb4: {  	_ =	strace $0x90000048  }
0xb5: {  	_ =	sfence  }
0xb6: {  	s30 =	sld [smem:$0x0];
	_ =	sdelay $0x2  }
0xb7: {  	s31 =	sshll.u32 s1, $0xD;
	s1 =	sshrl.u32 s1, $0x2  }
0xb8: {  	s3 =	sand.u32 $0x4000, s31;
	s1 =	sadd.s32 s1, s30  }
0xb9: {  	s0 =	sor.u32 s3, s0;
	s1 =	sshll.u32 s1, $0x11  }
0xba: {  	s0 =	sor.u32 s1, s0  }
0xbb: {  	s0 =	sadd.s32 $0x8F2B, s0  }
0xbc: {  	[sflag:s0] =	ssyncadd.remote.s32 $0x1  }
0xbd: {  	_ =	sfence.sel $0xFFFF  }
0xbe: {  	[dreg:$0x0] =	wrdreg $0xFFFFFFFF;
	(pc) =	sbr.abs _section_cstart, $3  }
0xbf: {  	[dreg:$0x1] =	wrdreg $0xFFFFFFFF  }
0xc0: {  	_ =	task.clear_ibuf [dreg:s6], $0x2FFFF;
	_ =	strace $0x9FFFFFFF  }
0xc1: {  	(tm) =	ssettm $0x7FFFFFFF  }
tec
execute0_lowered:
.L_overlay_start_1:
0x0: {  	(tag) =	ssettag $0x1  }
0x1: {  	s1 =	srdreg.scid;
	s0 =	stileid.u32  }
0x2: {  	s4 =	rddreg [dreg:$0x0];
	s2 =	simm.s32 $0x0;
	s8 =	simm.s32 $0x6400  }
0x3: {  	s9 =	simm.s32 $0x1;
	s10 =	simm.s32 $0xC800;
	s11 =	simm.s32 $0x0  }
0x4: {  	s3 =	sand.u32 $0x1, s1;
	s5 =	sshll.u32 s0, $0x1;
	[smem:$0x7FF] =	sst s2  }
0x5: {  	s1 =	rddreg [dreg:$0x1];
	s5 =	sor.u32 s3, s5;
	_ =	strace $0x80000047  }
0x6: {  	s7 =	ssub.s32 $0x2, s3;
	s6 =	smul.u32 $0xC80, s5;
	s5 =	sshll.u32 s5, $0x4  }
0x7: {  	s3 =	sadd.s32 $0x1E8C00, s4;
	s31 =	sshrl.u32 s7, $0x1;
	s5 =	sadd.s32 s5, s4  }
0x8: {  	s7 =	ssub.s32 s7, s31;
	s6 =	sadd.s32 s6, s4;
	s5 =	sadd.s32 $0x19600, s5  }
0x9: {  	s4 =	sadd.s32 $0x600, s6;
	s6 =	smax.u32 s7, $0x1;
	s7 =	simm.s32 $0x2  }
.LBB2_1:
0xa: {  	[tilespmem:s2], [sflag:$0x2] =	stream.linear.gather [hbm4b:s4+s2], $0x6400, $0x38;
	[tilespmem:$0xC880] =	vst v63  }
0xb: {  	_ =	swait.ge [sflag:s7], $0x6400  }
0xc: {  	[sflag:s7] =	ssyncset.done $0x0  }
0xd: {  	[sflag:s7] =	ssyncadd.s32 $0xFFFF9C00  }
0xe: {  	[tilespmem:s8], [sflag:$0x1] =	stream.indirect.gather [hbm4b:s3+s8], $0x1, s2, s8, $0xb8;
	[tilespmem:$0xC880] =	vst v63  }
0xf: {  	_ =	swait.ge [sflag:s9], $0x6400  }
0x10: {  	s12 =	simm.s32 $0x0;
	[sflag:s9] =	ssyncset.done $0x0  }
0x11: {  	v0 =	vimm.f32 $0.0e+00;
	s13 =	simm.s32 $0x0;
	s14 =	simm.s32 $0x0;
	[sflag:s9] =	ssyncadd.s32 $0xFFFF9C00  }
.LBB2_2:
0x12: {  	s15 =	sshll.u32 s13, $0x2;
	s16 =	sand.u32 $0x7, s12  }
0x13: {  	s15 =	sand.u32 $0xFFFFFE00, s15;
	s16 =	sshll.u32 s16, $0x6  }
0x14: {  	s15 =	sor.u32 s16, s15  }
0x15: {  	s15 =	sshrl.u32 s15, $0x2  }
0x16: {  	s15 =	sadd.s32 $0x6400, s15  }
0x17: {  	v1 =	vmov s15;
	_ =	sdelay $0x3  }
0x18: {  	s31 =	simm.s32 $0x0  }
0x19: {  	v2 =	vimm.f32 $0.0e+00;
	s15 =	simm.s32 $0x800;
	v3 =	vld.idx.msk [tilespmem:v1+s31+$0x0 ss:$0x1], $0xffff  }
.LBB2_3:
0x1a: {  	p0 =	sne.s32 s15, $0x18800  }
.Ltmp0:
0x1b: {  	_ = 	snop;
	(pc) =	sbr.rel @p0 .LBB2_3-.Ltmp0, $3  }
0x1c: {  	_ =	sdelay $0x1  }
0x1d: {  	s16 =	sshra.s32 s15, $0x2;
	s15 =	sadd.s32 $0x800, s15  }
0x1e: {  	v2 =	vadd.f32 v3, v2;
	v3 =	vld.idx.msk [tilespmem:v1+s16+$0x0 ss:$0x1], $0xffff  }
0x1f: {  	_ =	sdelay $0x3  }
0x20: {  	s14 =	sadd.s32 $0x1, s14;
	v1 =	vadd.f32 v3, v2  }
0x21: {  	p0 =	sne.s32 s14, $0x20  }
.Ltmp1:
0x22: {  	v1 =	vmul.f32 $1.999999960e-02, v1;
	(pc) =	sbr.rel @p0 .LBB2_2-.Ltmp1, $3  }
0x23: {  	_ = 	snop  }
0x24: {  	v1 =	vmul.f32 v1, v1;
	_ =	sdelay $0x1  }
0x25: {  	s13 =	sadd.s32 $0x10, s13;
	s12 =	sadd.s32 $0x1, s12;
	v0 =	vadd.f32 v1, v0  }
0x26: {  	s11 =	sadd.s32 $0x1, s11  }
0x27: {  	p0 =	sne.s32 s11, s6  }
.Ltmp2:
0x28: {  	[tilespmem:$0xC800] =	vst v0;
	(pc) =	sbr.rel @p0 .LBB2_1-.Ltmp2, $4  }
0x29: {  	[hbm4b:s5+s2] =	stream.linear.scatter [tilespmem:s10], [sflag:$0x2], $0x80, $0x38;
	[tilespmem:$0xC880] =	vst v63  }
0x2a: {  	_ =	swait.ge [sflag:s7], $0x80  }
0x2b: {  	[sflag:s7] =	ssyncset.done $0x0  }
0x2c: {  	[sflag:s7] =	ssyncadd.s32 $0xFFFFFF80  }
0x2d: {  	_ =	sfence.sel $0x180000  }
0x2e: {  	[bflag:$0x0] =	sbarrier.arrive $0xFFFF  }
0x2f: {  	p0 =	sne.s32 s0, $0x0;
	_ =	strace $0x90000047  }
0x30: {  	s0 =	sadd.s32 @!p0 $0x100000, s1;
	[bflag:$0x2] =	sbarrier.arrive $0xFFFF  }
0x31: {  	[sflag:s0] =	ssyncadd.tile.s32 @!p0 $0x1;
	_ =	shalt  }
.Lfunc_end2:
_tile_overlayer_lowered:
.L_overlay_start_2:
0x32: {  	(tag) =	ssettag $0x2  }
0x33: {  	s0 =	rddreg [dreg:$0x0];
	s2 =	stileid.u32  }
0x34: {  	s1 =	rddreg [dreg:$0x1];
	p0 =	sne.s32 s2, $0x0  }
0x35: {  	s3 =	rddreg [dreg:$0x2];
	[bflag:$0x3] =	sbarrier.arrive $0xFFFF;
	s2 =	simm.s32 @!p0 $0x1C02  }
0x36: {  	[timem:s3], [sflag:s2] =	dma.local @!p0 [hbm:s0], s1  }
0x37: {  	s0 =	simm.s32 @!p0 $0x2  }
0x38: {  	_ =	swait.ge @!p0 [sflag:s0], s1  }
0x39: {  	s1 =	ssub.s32 @!p0 $0x0, s1;
	[sflag:s0] =	ssyncset.done @!p0 $0x0  }
0x3a: {  	[sflag:s0] =	ssyncadd.s32 @!p0 s1  }
0x3b: {  	[bflag:$0x3] =	sbarrier.arrive $0xFFFF  }
0x3c: {  	_ =	shalt  }

</sc_bundles>
